<compile_context>
chip_gen: v7x
topology: tpu7x:2x2x1
jax: 0.10.2.dev20260603
libtpu: 0.0.44.dev20260713+nightly
codegen_flags: <defaults>
</compile_context>

<pallas_src>
import jax
import jax.numpy as jnp
from jax.experimental import pallas as pl

SPIKE_THRESHOLD = 0.01
_BLK = 4096


def _fused_block(x_ref, wt_ref, b_ref, o_ref):
    xb = x_ref[...]
    y = jnp.dot(xb, wt_ref[...], preferred_element_type=jnp.float32) + b_ref[...]
    spike = (jnp.abs(xb) > SPIKE_THRESHOLD).any(axis=1, keepdims=True)
    o_ref[...] = jnp.where(spike, y, 0.0)


def kernel(x, W, b):
    B, T, S, D = x.shape
    n = B * T * S
    xf = x.reshape(n, D)
    out = pl.pallas_call(
        _fused_block,
        grid=(n // _BLK,),
        in_specs=[
            pl.BlockSpec((_BLK, D), lambda i: (i, 0)),
            pl.BlockSpec((D, D), lambda i: (0, 0)),
            pl.BlockSpec((1, D), lambda i: (0, 0)),
        ],
        out_specs=pl.BlockSpec((_BLK, D), lambda i: (i, 0)),
        out_shape=jax.ShapeDtypeStruct((n, D), x.dtype),
    )(xf, W.T, b.reshape(1, D))
    return out.reshape(B, T, S, D)

# --- scband reference (transcript-rebuilt; emitter-appended) ---
"""Pipeline reference for scband-event-driven-compute-engine-33071248179949 (READ-ONLY COPY).

The authoritative reference and input builder live on the scoring server;
editing this copy changes nothing except your own understanding.
"""

import jax, jax.numpy as jnp
import numpy as np

SPIKE_THRESHOLD = 0.01

def setup_inputs(seed: int = 0) -> dict:
    key = jax.random.key(seed)
    k1, k2, k3 = jax.random.split(key, 3)
    x = jax.random.normal(k1, (8, 16, 4096, 64), dtype=jnp.float32)
    W = jax.random.normal(k2, (64, 64), dtype=jnp.float32) * (1.0 / np.sqrt(64))
    b = jax.random.normal(k3, (64,), dtype=jnp.float32) * 0.01
    return {"x": x, "W": W, "b": b}

def reference(x, W, b):
    # Event-driven forward: positions (b, t, s) whose feature vector has any
    # |value| > threshold are considered 'spiking' and are run through the
    # inner model (a Linear layer); all other positions emit zeros.
    # This is the dense/functional equivalent of gathering active rows,
    # applying the model, and scattering results back into a zero tensor.
    spike_mask = (jnp.abs(x) > SPIKE_THRESHOLD).any(axis=-1)  # [B, T, S]
    y = jnp.einsum('btsd,ed->btse', x, W) + b                 # model(x) per token
    out = jnp.where(spike_mask[..., None], y, jnp.zeros_like(y))
    return out

if __name__ == "__main__":
    import jax
    _d = setup_inputs()
    print(jax.jit(kernel)(*tuple(_d.values())))

</pallas_src>

<mosaic_0001>
module attributes {stable_mosaic.version = 14 : i64} {
  func.func @_fused_block(%arg0: i32, %arg1: memref<4096x64xf32, #tpu.memory_space<vmem>>, %arg2: memref<64x64xf32, #tpu.memory_space<vmem>>, %arg3: memref<1x64xf32, #tpu.memory_space<vmem>>, %arg4: memref<4096x64xf32, #tpu.memory_space<vmem>>) attributes {dimension_semantics = [#tpu.dimension_semantics<arbitrary>], iteration_bounds = array<i64: 128>, scalar_prefetch = 0 : i64, scratch_operands = 0 : i64, tpu.core_type = #tpu.core_type<tc>, window_params = [{transform_indices = @transform_0, window_bounds = array<i64: 4096, 64>}, {pipeline_mode = #tpu.pipeline_mode<synchronous>, transform_indices = @transform_1, window_bounds = array<i64: 64, 64>}, {pipeline_mode = #tpu.pipeline_mode<synchronous>, transform_indices = @transform_2, window_bounds = array<i64: 1, 64>}, {transform_indices = @transform_3, window_bounds = array<i64: 4096, 64>}]} {
    %get3A = arith.constant 0 : index
    %get3A_0 = arith.constant 0 : index
    %get3A_1 = vector.load %arg1[%get3A, %get3A_0] : memref<4096x64xf32, #tpu.memory_space<vmem>>, vector<4096x64xf32>
    %get3A_2 = arith.constant 0 : index
    %get3A_3 = arith.constant 0 : index
    %get3A_4 = vector.load %arg2[%get3A_2, %get3A_3] : memref<64x64xf32, #tpu.memory_space<vmem>>, vector<64x64xf32>
    %dot_general3A = arith.constant dense<0.000000e+00> : vector<4096x64xf32>
    %dot_general3A_5 = tpu.matmul %get3A_1, %get3A_4, %dot_general3A {dimension_numbers = #tpu.dot_dimension_numbers<[1], [0], [0], [1], [0, 0, 1, 1], [], []>, transpose_lhs_hint = false} : vector<4096x64xf32>, vector<64x64xf32>, vector<4096x64xf32> -> vector<4096x64xf32>
    %get3A_6 = arith.constant 0 : index
    %get3A_7 = arith.constant 0 : index
    %get3A_8 = vector.load %arg3[%get3A_6, %get3A_7] : memref<1x64xf32, #tpu.memory_space<vmem>>, vector<1x64xf32>
    %add3A = vector.broadcast %get3A_8 : vector<1x64xf32> to vector<4096x64xf32>
    %add3A_9 = arith.addf %dot_general3A_5, %add3A : vector<4096x64xf32>
    %abs3A = math.absf %get3A_1 : vector<4096x64xf32>
    %gt3A = arith.constant 0.00999999977 : f32
    %gt3A_10 = vector.broadcast %gt3A : f32 to vector<4096x64xf32>
    %gt3A_11 = arith.cmpf ogt, %abs3A, %gt3A_10 : vector<4096x64xf32>
    %reduce_or3A = arith.constant 1.000000e+00 : f32
    %reduce_or3A_12 = arith.constant 0.000000e+00 : f32
    %reduce_or3A_13 = vector.broadcast %reduce_or3A : f32 to vector<4096x64xf32>
    %reduce_or3A_14 = vector.broadcast %reduce_or3A_12 : f32 to vector<4096x64xf32>
    %reduce_or3A_15 = arith.select %gt3A_11, %reduce_or3A_13, %reduce_or3A_14 : vector<4096x64xi1>, vector<4096x64xf32>
    %reduce_or3A_16 = arith.constant dense<0xFF800000> : vector<4096xf32>
    %reduce_or3A_17 = vector.multi_reduction <maximumf>, %reduce_or3A_15, %reduce_or3A_16 [1] : vector<4096x64xf32> to vector<4096xf32>
    %reduce_or3A_18 = arith.constant 0.000000e+00 : f32
    %reduce_or3A_19 = vector.broadcast %reduce_or3A_18 : f32 to vector<4096xf32>
    %reduce_or3A_20 = arith.cmpf ogt, %reduce_or3A_17, %reduce_or3A_19 : vector<4096xf32>
    %broadcast_in_dim3A = vector.shape_cast %reduce_or3A_20 : vector<4096xi1> to vector<4096x1xi1>
    %jit3A = arith.constant 0.000000e+00 : f32
    %broadcast_in_dim3A_21 = vector.shape_cast %broadcast_in_dim3A : vector<4096x1xi1> to vector<4096x1xi1>
    %broadcast_in_dim3A_22 = vector.broadcast %broadcast_in_dim3A_21 : vector<4096x1xi1> to vector<4096x64xi1>
    %broadcast_in_dim3A_23 = vector.broadcast %jit3A : f32 to vector<4096x64xf32>
    %select_n3A = arith.select %broadcast_in_dim3A_22, %add3A_9, %broadcast_in_dim3A_23 : vector<4096x64xi1>, vector<4096x64xf32>
    %swap3A = arith.constant 0 : index
    %swap3A_24 = arith.constant 0 : index
    %swap3A_25 = vector.load %arg4[%swap3A, %swap3A_24] : memref<4096x64xf32, #tpu.memory_space<vmem>>, vector<4096x64xf32>
    tpu.vector_store %arg4[%swap3A, %swap3A_24], %select_n3A {strides = array<i32>} : memref<4096x64xf32, #tpu.memory_space<vmem>>, vector<4096x64xf32>,
    return
  }
  func.func @transform_0(%arg0: i32) -> (i32, i32) {
    %c0_i32 = arith.constant 0 : i32
    %c0_i32_0 = arith.constant 0 : i32
    return %arg0, %c0_i32 : i32, i32
  }
  func.func @transform_1(%arg0: i32) -> (i32, i32) {
    %c0_i32 = arith.constant 0 : i32
    %c0_i32_0 = arith.constant 0 : i32
    %c0_i32_1 = arith.constant 0 : i32
    return %c0_i32, %c0_i32_0 : i32, i32
  }
  func.func @transform_2(%arg0: i32) -> (i32, i32) {
    %c0_i32 = arith.constant 0 : i32
    %c0_i32_0 = arith.constant 0 : i32
    %c0_i32_1 = arith.constant 0 : i32
    return %c0_i32, %c0_i32_0 : i32, i32
  }
  func.func @transform_3(%arg0: i32) -> (i32, i32) {
    %c0_i32 = arith.constant 0 : i32
    %c0_i32_0 = arith.constant 0 : i32
    return %arg0, %c0_i32 : i32, i32
  }
}

</mosaic_0001>

<sc_bundles>
// kernel: sparse-core-data-format-call.cloned.1.call-start
scs
called_computation_lowered:
.L_overlay_start_0:
0x0: {  	s2 =	sld [smem:$0x3FD9]  }
0x1: {  	s3 =	sld [smem:$0x3FFE];
	_ =	sdelay $0x1  }
0x2: {  	s1 =	srdreg.scid  }
0x3: {  	s0 =	sand.u32 $0x1, s1  }
0x4: {  	s18 =	sshll.u32 s0, $0xA;
	s2 =	sadd.s32 s3, s2  }
0x5: {  	s2 =	sadd.s32 s2, s18  }
0x6: {  	[smem:$0x3FC5] =	sst s2  }
0x7: {  	_ = 	snop  }
0x8: {  	s2 =	sld [smem:$0x3FD0];
	(tm) =	ssettm $0x1  }
0x9: {  	s19 =	sld [smem:$0x3FFB];
	_ =	sdelay $0x3  }
0xa: {  	_ =	strace s19  }
0xb: {  	s3 =	sld [smem:$0x3FFC];
	_ =	sdelay $0x3  }
0xc: {  	_ =	strace s3  }
0xd: {  	s3 =	sld [smem:$0x3FFD];
	_ =	sdelay $0x3  }
0xe: {  	_ =	strace s3  }
0xf: {  	_ =	strace $0x8FFFFFFF  }
0x10: {  	s20 =	sld [smem:$0x3FDB];
	_ =	sdelay $0x1  }
0x11: {  	s4 =	simm.s32 $_scs_section_size  }
0x12: {  	s5 =	simm.s32 $_size__tile_overlayer_lowered;
	s6 =	simm.s32 $_tile_overlayer_lowered  }
0x13: {  	s23 =	simm.s32 $0x1BFF;
	s22 =	sshll.u32 s6, $0x1;
	s3 =	sadd.s32 s4, s20  }
0x14: {  	s7 =	simm.s32 $0x0;
	s21 =	sshll.u32 s5, $0x1;
	s5 =	sadd.s32 s22, s3  }
0x15: {  	[timem:s7], [sflag:s23] =	dma.local [hbm:s5], s21  }
0x16: {  	_ =	swait.ge [sflag:s23], s21  }
0x17: {  	s4 =	ssub.s32 $0x0, s21;
	[sflag:s23] =	ssyncset.done $0x0  }
0x18: {  	[sflag:s23] =	ssyncadd.s32 s4;
	_ =	sdelay $0x1  }
0x19: {  	s24 =	simm.s32 $0x1B8B  }
0x1a: {  	_ =	swait.ge [sflag:s24], $0x1  }
0x1b: {  	[sflag:s24] =	ssyncset.done $0x0  }
0x1c: {  	s26 =	simm.s32 $0x1B8E;
	s25 =	sld [smem:$0x3FFE];
	[sflag:s24] =	ssyncadd.s32 $0xFFFFFFFF  }
0x1d: {  	s27 =	simm.s32 $execute0_lowered;
	[smem:$0x3FD2] =	sst s26  }
0x1e: {  	s5 =	sshll.u32 s27, $0x1;
	_ =	strace $0x80000046;
	[dreg:$0x1] =	wrdreg $0xFFFFFFFF  }
0x1f: {  	s28 =	simm.s32 $_size_execute0_lowered;
	s3 =	sadd.s32 s3, s5;
	[dreg:$0x0] =	wrdreg $0x0  }
0x20: {  	s5 =	sshll.u32 s28, $0x1;
	[dreg:$0x2] =	wrdreg s3  }
0x21: {  	[dreg:$0x3] =	wrdreg s5  }
0x22: {  	[dreg:$0x4] =	wrdreg $0xC0  }
0x23: {  	_ =	task [dreg:s7], $0x5FFFF  }
0x24: {  	[dreg:$0x1] =	wrdreg $0xFFFFFFFF  }
0x25: {  	[dreg:$0x0] =	wrdreg $0x60  }
0x26: {  	[dreg:$0x2] =	wrdreg s25  }
0x27: {  	[dreg:$0x3] =	wrdreg s2  }
0x28: {  	[dreg:$0x4] =	wrdreg $0x9  }
0x29: {  	_ =	task.clear_ibuf [dreg:s7], $0x5FFFF;
	_ =	strace $0x90000046  }
0x2a: {  	s29 =	simm.s32 $0x9;
	_ =	strace $0x80000048  }
0x2b: {  	_ =	swait.ge [sflag:s29], $0x1  }
0x2c: {  	[sflag:s29] =	ssyncadd.s32 $0xFFFFFFFF  }
0x2d: {  	_ =	strace $0x90000048  }
0x2e: {  	_ =	sfence  }
0x2f: {  	s30 =	sld [smem:$0x0];
	_ =	sdelay $0x2  }
0x30: {  	s31 =	sshll.u32 s1, $0xD;
	s1 =	sshrl.u32 s1, $0x2  }
0x31: {  	s3 =	sand.u32 $0x4000, s31;
	s1 =	sadd.s32 s1, s30  }
0x32: {  	s0 =	sor.u32 s3, s0;
	s1 =	sshll.u32 s1, $0x11  }
0x33: {  	s0 =	sor.u32 s1, s0  }
0x34: {  	s0 =	sadd.s32 $0x8F2B, s0  }
0x35: {  	[sflag:s0] =	ssyncadd.remote.s32 $0x1  }
0x36: {  	_ =	sfence.sel $0xFFFF  }
0x37: {  	[dreg:$0x0] =	wrdreg $0xFFFFFFFF;
	(pc) =	sbr.abs _section_cstart, $3  }
0x38: {  	[dreg:$0x1] =	wrdreg $0xFFFFFFFF  }
0x39: {  	_ =	task.clear_ibuf [dreg:s7], $0x2FFFF;
	_ =	strace $0x9FFFFFFF  }
0x3a: {  	(tm) =	ssettm $0x7FFFFFFF  }
0x3b: {  	_ =	shalt  }
tec
execute0_lowered:
.L_overlay_start_1:
0x0: {  	(tag) =	ssettag $0x1  }
0x1: {  	s1 =	srdreg.scid  }
0x2: {  	s0 =	stileid.u32;
	s8 =	rddreg [dreg:$0x0]  }
0x3: {  	s2 =	rddreg [dreg:$0x1];
	s7 =	simm.s32 $0x1;
	s1 =	sshll.u32 s1, $0x4  }
0x4: {  	s9 =	simm.s32 $0x2;
	s15 =	simm.s32 $0x0;
	s1 =	sor.u32 s0, s1  }
0x5: {  	s10 =	simm.s32 $0x8000;
	s16 =	simm.s32 $0x0;
	s1 =	sshrl.u32 s1, $0x2  }
0x6: {  	s17 =	simm.s32 $0x0;
	s11 =	simm.s32 $0x0;
	s3 =	sand.u32 $0x6, s1  }
0x7: {  	s14 =	simm.s32 $0x0;
	s4 =	sadd.s32 $0x800600, s8;
	s6 =	ssub.s32 $0x10, s3  }
0x8: {  	s8 =	sadd.s32 $0x810600, s8;
	s1 =	rddreg [dreg:$0x2];
	s5 =	sand.u32 $0x6, s6  }
.Ltmp0:
0x9: {  	_ =	strace $0x80000047;
	p0 =	sne.s32 s5, $0x0;
	(pc) =	sbr.rel .LBB1_1-.Ltmp0, $4  }
0xa: {  	s6 =	sshrl.u32 s6, $0x3;
	s5 =	simm.s32 $0x1;
	s7 =	simm.s32 @!p0 $0x0  }
0xb: {  	s12 =	smov.u32 s3;
	[sflag:s5] =	ssyncpa.u1 $0x0;
	s7 =	sadd.s32 s7, s6  }
0xc: {  	p0 =	por $0x0, $0x0;
	s6 =	sand.u32 $0x7, s0;
	s7 =	sshll.u32 s7, $0x5  }
0xd: {  	[sflag:s9] =	ssyncpa.u1 $0x0;
	s13 =	smov.u32 s6;
	s9 =	sor.u32 $0x1, s7  }
.LBB1_7:
0xe: {  	s18 =	sadd.s32 $0x80, s11  }
0xf: {  	s15 =	sadd.s32 $0x8, s12;
	s19 =	smov.u32 s12;
	p2 =	sgt.s32 s18, $0xFFF  }
0x10: {  	s19 =	smov.u32 @p2 s15  }
0x11: {  	s21 =	smov.u32 s13;
	s15 =	sadd.s32 $0x8, s13;
	p3 =	sgt.s32 s19, $0xF  }
0x12: {  	s21 =	smov.u32 @p3 s15  }
0x13: {  	s18 =	simm.s32 @p2 $0x0;
	p2 =	sgt.s32 s21, $0x7  }
0x14: {  	p1 =	slt.u32 s14, $0x2;
	s21 =	smov.u32 @p2 s6;
	p2 =	sne.s32 s14, s9  }
.Ltmp1:
0x15: {  	s20 =	simm.s32 @!p1 $0x2;
	(pc) =	sbr.rel @!p2 .LBB1_8-.Ltmp1, $4  }
0x16: {  	s16 =	smov.u32 s12;
	s17 =	smov.u32 s13;
	_ =	swait.ge @!p1 [sflag:s20], $0x4000  }
0x17: {  	p0 =	por !p0, !p0;
	[sflag:s20] =	ssyncset.done @!p1 $0x0;
	s19 =	smov.u32 @p3 s3  }
0x18: {  	s15 =	smov.u32 s11;
	[sflag:s20] =	ssyncadd.s32 @!p1 $0xFFFFC000;
	s11 =	smov.u32 s18  }
0x19: {  	s12 =	smov.u32 s19;
	s14 =	sadd.s32 $0x1, s14;
	s13 =	smov.u32 s21  }
.LBB1_1:
0x1a: {  	p1 =	sge.u32 s14, s7  }
0x1b: {  	s18 =	sxor.u32 @!p1 $0xFFFFFFFF, s14;
	s19 =	sshll.u32 @!p1 s13, $0x14  }
0x1c: {  	s20 =	sshll.u32 @!p1 s12, $0x10;
	s22 =	sshll.u32 @!p1 s11, $0x4;
	s23 =	simm.s32 @!p1 $0x40  }
0x1d: {  	s24 =	simm.s32 @!p1 $0x80;
	s18 =	sshll.u32 @!p1 s18, $0xE;
	s21 =	sadd.s32 @!p1 s19, s20  }
0x1e: {  	s22 =	sand.u32 @!p1 $0xFFF0, s22;
	s19 =	sadd.s32 @!p1 s19, s8;
	s21 =	sadd.s32 @!p1 s4, s21  }
0x1f: {  	s18 =	sand.u32 @!p1 $0x4000, s18;
	s19 =	sadd.s32 @!p1 s20, s19;
	s21 =	sadd.s32 @!p1 s22, s21  }
0x20: {  	[tilespmem:s18], [sflag:$0x1] =	stream.strided.gather @!p1 [hbm4b:s21+s23], $0x2000, s24, s23, $0x38;
	[tilespmem:$0x10100] =	vst v63  }
0x21: {  	s31 =	sadd.s32 $0xFFFFFFFF, s14;
	s19 =	sadd.s32 @!p1 s22, s19;
	s18 =	sor.u32 @!p1 $0x2000, s18  }
0x22: {  	[tilespmem:s18], [sflag:$0x1] =	stream.strided.gather @!p1 [hbm4b:s19+s23], $0x2000, s24, s23, $0x38;
	[tilespmem:$0x10100] =	vst v63  }
0x23: {  	p1 =	sge.u32 s31, s7  }
.Ltmp2:
0x24: {  	_ = 	snop;
	(pc) =	sbr.rel @p1 .LBB1_7-.Ltmp2, $1  }
0x25: {  	_ =	sdelay $0x3  }
0x26: {  	s18 =	simm.s32 $0x1;
	s20 =	sand.u32 $0x1, s14  }
0x27: {  	_ =	swait.ge [sflag:s5], $0x4000;
	s18 =	simm.s32 @!p0 $0x0;
	s20 =	smul.u32 $0x10200, s20  }
0x28: {  	p2 =	por $0x1, $0x1;
	[sflag:s5] =	ssyncset.done $0x0;
	s19 =	smul.u32 $0x10200, s18  }
0x29: {  	s21 =	sshll.u32 s18, $0x10;
	[sflag:s5] =	ssyncadd.s32 $0xFFFFC000;
	s30 =	sshrl.u32 s20, $0x2  }
0x2a: {  	s31 =	sshrl.u32 s21, $0x2;
	s21 =	simm.s32 $0x0;
	s19 =	sshrl.u32 s19, $0x2  }
0x2b: {  	s18 =	sor.u32 $0x8000, s30;
	s20 =	sadd.s32 $0x20, s31;
	s19 =	sor.u32 $0x8000, s19  }
.LBB1_3:
0x2c: {  	s22 =	sshll.u32 s21, $0xD  }
0x2d: {  	s22 =	sand.u32 $0x3FFFE000, s22  }
0x2e: {  	s24 =	sadd.s32 s22, s20  }
0x2f: {  	s31 =	smul.u32 $0x8100, s21;
	v3 =	vld [tilespmem:s24+$0x10]  }
0x30: {  	v1 =	vld [tilespmem:s24+$0xFFFFFFF0]  }
0x31: {  	s21 =	sshra.s32 s31, $0x2;
	v0 =	vld [tilespmem:s24+$0x0]  }
0x32: {  	s21 =	sadd.s32 s21, s19;
	v2 =	vld [tilespmem:s24+$0xFFFFFFE0]  }
0x33: {  	s22 =	sadd.s32 $0x0, s21  }
0x34: {  	p1 =	por p2, p2;
	s23 =	simm.s32 $0x4;
	s24 =	sadd.s32 $0x40, s24;
	[tilespmem:s22+$0x1830 ss:$0x81] =	vst.msk $0xffff, v3  }
.LBB1_4:
0x35: {  	v3 =	vld [tilespmem:s24+$0x10];
	p2 =	sne.s32 s23, $0x1FC;
	[tilespmem:s22+$0x810 ss:$0x81] =	vst.msk $0xffff, v1;
	s25 =	smov.u32 s23;
	s23 =	sadd.s32 $0x4, s23  }
.Ltmp3:
0x36: {  	v1 =	vld [tilespmem:s24+$0xFFFFFFF0];
	[tilespmem:s22+$0x1020 ss:$0x81] =	vst.msk $0xffff, v0;
	(pc) =	sbr.rel @p2 .LBB1_4-.Ltmp3, $4  }
0x37: {  	v0 =	vld [tilespmem:s24+$0x0];
	[tilespmem:s22+$0x0 ss:$0x81] =	vst.msk $0xffff, v2  }
0x38: {  	s22 =	sshra.s32 s25, $0x2;
	v2 =	vld [tilespmem:s24+$0xFFFFFFE0]  }
0x39: {  	s22 =	sadd.s32 s22, s21  }
0x3a: {  	s24 =	sadd.s32 $0x40, s24;
	[tilespmem:s22+$0x1830 ss:$0x81] =	vst.msk $0xffff, v3  }
.Ltmp4:
0x3b: {  	(pc) =	sbr.rel @p1 .LBB1_3-.Ltmp4, $4  }
0x3c: {  	_ = 	snop  }
0x3d: {  	[tilespmem:s22+$0x810 ss:$0x81] =	vst.msk $0xffff, v1  }
0x3e: {  	[tilespmem:s22+$0x1020 ss:$0x81] =	vst.msk $0xffff, v0  }
0x3f: {  	s21 =	simm.s32 $0x1;
	p2 =	por $0x0, $0x0;
	[tilespmem:s22+$0x0 ss:$0x81] =	vst.msk $0xffff, v2  }
0x40: {  	s19 =	sshll.u32 s15, $0x3;
	s20 =	sand.u32 $0x78, s15  }
0x41: {  	s17 =	sshll.u32 s17, $0x13;
	s16 =	sshll.u32 s16, $0xF;
	s29 =	sand.u32 $0x7E00, s15  }
.Ltmp5:
0x42: {  	s19 =	sand.u32 $0xC00, s19;
	s17 =	sadd.s32 s2, s17;
	(pc) =	sbr.rel .LBB1_7-.Ltmp5, $4  }
0x43: {  	s30 =	sand.u32 $0x7, s15;
	s19 =	sor.u32 s20, s19;
	s16 =	sadd.s32 s16, s17  }
0x44: {  	s15 =	sshll.u32 s30, $0x12;
	s31 =	sshrl.u32 s19, $0x3;
	s16 =	sadd.s32 s29, s16  }
0x45: {  	s15 =	sor.u32 $0x400, s15;
	s16 =	sadd.s32 s31, s16  }
0x46: {  	[hbm4b:s16+s15] =	stream.strided.scatter [tilespmem:s18], [sflag:$0x2], $0x4000, s10, s15, $0x20;
	[tilespmem:$0x10100] =	vst v63  }
.LBB1_8:
0x47: {  	_ =	sfence.sel $0x180000  }
0x48: {  	s2 =	simm.s32 $0x1;
	[bflag:$0x0] =	sbarrier.arrive $0xFFFF  }
0x49: {  	s31 =	simm.s32 $0x2;
	[sflag:s2] =	ssyncpa.u1 $0x1  }
0x4a: {  	[sflag:s31] =	ssyncpa.u1 $0x1  }
0x4b: {  	p0 =	sne.s32 s0, $0x0;
	_ =	strace $0x90000047  }
0x4c: {  	s0 =	sadd.s32 @!p0 $0x100000, s1;
	[bflag:$0x2] =	sbarrier.arrive $0xFFFF  }
0x4d: {  	[sflag:s0] =	ssyncadd.tile.s32 @!p0 $0x1;
	_ =	shalt  }
.Lfunc_end1:
_tile_overlayer_lowered:
.L_overlay_start_2:
0x4e: {  	(tag) =	ssettag $0x2  }
0x4f: {  	s0 =	rddreg [dreg:$0x0];
	s2 =	stileid.u32  }
0x50: {  	s1 =	rddreg [dreg:$0x1];
	p0 =	sne.s32 s2, $0x0  }
0x51: {  	s3 =	rddreg [dreg:$0x2];
	[bflag:$0x3] =	sbarrier.arrive $0xFFFF;
	s2 =	simm.s32 @!p0 $0x1C01  }
0x52: {  	[timem:s3], [sflag:s2] =	dma.local @!p0 [hbm:s0], s1  }
0x53: {  	s0 =	simm.s32 @!p0 $0x1  }
0x54: {  	_ =	swait.ge @!p0 [sflag:s0], s1  }
0x55: {  	s1 =	ssub.s32 @!p0 $0x0, s1;
	[sflag:s0] =	ssyncset.done @!p0 $0x0  }
0x56: {  	[sflag:s0] =	ssyncadd.s32 @!p0 s1  }
0x57: {  	[bflag:$0x3] =	sbarrier.arrive $0xFFFF  }
0x58: {  	_ =	shalt  }

</sc_bundles>
